<compile_context>
chip_gen: v7x
topology: tpu7x:2x2x1
jax: 0.10.2.dev20260603
libtpu: 0.0.44.dev20260713+nightly
codegen_flags: <defaults>
</compile_context>

<pallas_src>
import jax
import jax.numpy as jnp
from jax import lax
from jax.experimental import pallas as pl
from jax.experimental.pallas import tpu as pltpu
from jax.experimental.pallas import tpu_sc as plsc

TOP_K = 16
L = 16
HW = 1024
NGRP = HW // L
NC = 2
NS = 16
NW = NC * NS
ROWS_G = 16


def _batcher_pairs(n):
    pairs = []

    def merge(lo, m, r):
        step = r * 2
        if step < m:
            merge(lo, m, step)
            merge(lo + r, m, step)
            pairs.extend((i, i + r) for i in range(lo + r, lo + m - r, step))
        else:
            pairs.append((lo, lo + r))

    def net(lo, m):
        if m > 1:
            h = m // 2
            net(lo, h)
            net(lo + h, h)
            merge(lo, m, 1)

    net(0, n)
    return pairs


_SORT8 = _batcher_pairs(8)


def _sc_body(num_rows, num_ch, x_hbm, w_hbm, o_hbm, xbuf, wbuf, obuf, sem):
    rpw = num_rows // NW
    nblocks = rpw // ROWS_G
    wid = lax.axis_index("s") * NC + lax.axis_index("c")
    base = wid * rpw

    pltpu.sync_copy(w_hbm, wbuf)
    lane = lax.iota(jnp.int32, L)
    lanebase = lane * HW
    neg_inf = jnp.full((L,), -jnp.inf, jnp.float32)

    def block_body(g, carry):
        pltpu.sync_copy(
            x_hbm.at[pl.ds((base + g * ROWS_G) * HW, ROWS_G * HW)], xbuf)

        def group_body(j, T):
            idx0 = lanebase + j * 8
            V = [plsc.load_gather(xbuf, [idx0 + ((lane ^ k) & 7)])
                 for k in range(8)]
            for a, b in _SORT8:
                lo = jnp.minimum(V[a], V[b])
                hi = jnp.maximum(V[a], V[b])
                V[a], V[b] = lo, hi
            z = list(T)
            for i in range(8):
                z[8 + i] = jnp.maximum(T[8 + i], V[i])
            for d in (8, 4, 2, 1):
                for i in range(L):
                    if i & d == 0:
                        hi = jnp.maximum(z[i], z[i + d])
                        lo = jnp.minimum(z[i], z[i + d])
                        z[i], z[i + d] = hi, lo
            return tuple(z)

        T = lax.fori_loop(0, HW // 8, group_body, (neg_inf,) * L)

        ch = lax.rem(g * ROWS_G + lane, jnp.int32(num_ch))
        widx = ch * TOP_K
        acc = T[0] * plsc.load_gather(wbuf, [widx])
        for i in range(1, TOP_K):
            acc = acc + T[i] * plsc.load_gather(wbuf, [widx + i])
        plsc.store_scatter(obuf, [g * L + lane], acc)
        return carry

    lax.fori_loop(0, nblocks, block_body, jnp.int32(0))
    pltpu.sync_copy(obuf, o_hbm.at[pl.ds(base, rpw)])


def kernel(x, weights):
    B, C = x.shape[0], x.shape[1]
    num_rows = B * C
    x_flat = x.reshape(num_rows * HW)
    w_flat = weights.reshape(-1)
    rpw = num_rows // NW

    body = lambda *refs: _sc_body(num_rows, C, *refs)
    out = pl.kernel(
        body,
        out_type=jax.ShapeDtypeStruct((num_rows,), jnp.float32),
        mesh=plsc.VectorSubcoreMesh(core_axis_name="c", subcore_axis_name="s"),
        compiler_params=pltpu.CompilerParams(needs_layout_passes=False),
        scratch_types=[
            pltpu.VMEM((ROWS_G * HW,), jnp.float32),
            pltpu.VMEM((C * TOP_K,), jnp.float32),
            pltpu.VMEM((rpw,), jnp.float32),
            pltpu.SemaphoreType.DMA,
        ],
    )(x_flat, w_flat)
    return out.reshape(B, C)

# --- scband reference (transcript-rebuilt; emitter-appended) ---
"""Pipeline reference for scband-avg-top-kpool-66752381714579 (READ-ONLY COPY).

The authoritative reference and input builder live on the scoring server;
editing this copy changes nothing except your own understanding.
"""

import jax, jax.numpy as jnp
import numpy as np

CHANNELS = 384
TOP_K = 16
DECAY = 0.6


def _make_weights():
    w = DECAY ** np.arange(TOP_K, dtype=np.float64)
    w = np.tile(w[None, :], (CHANNELS, 1))
    w = w / w.sum(axis=1, keepdims=True)
    return jnp.asarray(w, dtype=jnp.float32)


def setup_inputs(seed: int = 0) -> dict:
    key = jax.random.key(seed)
    x = jax.random.normal(key, (64, 384, 32, 32), dtype=jnp.float32)
    weights = _make_weights()
    return {"x": x, "weights": weights}


def reference(x, weights):
    B = x.shape[0]
    C = x.shape[1]
    x_flat = x.reshape(B, C, -1)
    x_topk, _ = jax.lax.top_k(x_flat, TOP_K)
    x_avgtopk = (x_topk * weights).sum(axis=2)
    return x_avgtopk

if __name__ == "__main__":
    import jax
    _d = setup_inputs()
    print(jax.jit(kernel)(*tuple(_d.values())))

</pallas_src>

<mosaic_0001>
#map = affine_map<(d0, d1) -> (0)>
module attributes {stable_mosaic.version = 14 : i64} {
  func.func @_lambda_(%arg0: i32, %arg1: i32, %arg2: memref<25165824xf32, #tpu.memory_space<hbm>>, %arg3: memref<6144xf32, #tpu.memory_space<hbm>>, %arg4: memref<24576xf32, #tpu.memory_space<hbm>>, %arg5: memref<16384xf32, #tpu.memory_space<vmem>>, %arg6: memref<6144xf32, #tpu.memory_space<vmem>>, %arg7: memref<768xf32, #tpu.memory_space<vmem>>, %arg8: memref<!tpu.dma_semaphore, #tpu.memory_space<semaphore_mem>>) attributes {dimension_semantics = [#tpu.dimension_semantics<core_parallel>, #tpu.dimension_semantics<subcore_parallel>], iteration_bounds = array<i64: 2, 16>, scalar_prefetch = 0 : i64, scratch_operands = 4 : i64, tpu.core_type = #tpu.core_type<sc_vector_subcore>, window_params = [{transform_indices = #map}, {transform_indices = #map}, {transform_indices = #map}]} {
    %mul3A = arith.constant 2 : i32
    %mul3A_0 = arith.muli %arg1, %mul3A : i32
    %add3A = arith.addi %mul3A_0, %arg0 : i32
    %mul3A_1 = arith.constant 768 : i32
    %mul3A_2 = arith.muli %add3A, %mul3A_1 : i32
    "tpu.region"() ({
      %run_scoped3A = tpu.sem_alloc : memref<!tpu.dma_semaphore, #tpu.memory_space<semaphore_mem>>
      tpu.enqueue_dma source(%arg3 : memref<6144xf32, #tpu.memory_space<hbm>>) target(%arg6 : memref<6144xf32, #tpu.memory_space<vmem>>) target_semaphore(%run_scoped3A : memref<!tpu.dma_semaphore, #tpu.memory_space<semaphore_mem>>)
      tpu.wait_dma2 semaphore(%run_scoped3A : memref<!tpu.dma_semaphore, #tpu.memory_space<semaphore_mem>>) src(%arg3 : memref<6144xf32, #tpu.memory_space<hbm>>) dst(%arg6 : memref<6144xf32, #tpu.memory_space<vmem>>)
      tpu.yield
    }) : () -> ()
    %iota3A = tpu.iota {dimensions = array<i32: 0>} : vector<16xi32>
    %mul3A_3 = arith.constant 1024 : i32
    %mul3A_4 = vector.broadcast %mul3A_3 : i32 to vector<16xi32>
    %mul3A_5 = arith.muli %iota3A, %mul3A_4 : vector<16xi32>
    %broadcast_in_dim3A = arith.constant 0xFF800000 : f32
    %broadcast_in_dim3A_6 = vector.broadcast %broadcast_in_dim3A : f32 to vector<16xf32>
    %scan3A = arith.constant 0 : i32
    %scan3A_7 = arith.constant 0 : i32
    %scan3A_8 = arith.constant 48 : i32
    %scan3A_9 = arith.addi %scan3A_7, %scan3A_8 : i32
    %scan3A_10 = arith.constant 1 : i32
    scf.for %scan3A_12 = %scan3A_7 to %scan3A_9 step %scan3A_10  : i32 {
      %mul3A_13 = arith.constant 16 : i32
      %mul3A_14 = arith.muli %scan3A_12, %mul3A_13 : i32
      %add3A_15 = arith.addi %mul3A_2, %mul3A_14 : i32
      %mul3A_16 = arith.constant 1024 : i32
      %mul3A_17 = arith.muli %add3A_15, %mul3A_16 : i32
      "tpu.region"() ({
        %run_scoped3A = tpu.sem_alloc : memref<!tpu.dma_semaphore, #tpu.memory_space<semaphore_mem>>
        %dma_start3A = tpu.memref_slice %arg2[%mul3A_17] : memref<25165824xf32, #tpu.memory_space<hbm>> -> memref<16384xf32, #tpu.memory_space<hbm>>
        %dma_start3A_128 = tpu.memref_slice %arg2[%mul3A_17] : memref<25165824xf32, #tpu.memory_space<hbm>> -> memref<16384xf32, #tpu.memory_space<hbm>>
        tpu.enqueue_dma source(%dma_start3A_128 : memref<16384xf32, #tpu.memory_space<hbm>>) target(%arg5 : memref<16384xf32, #tpu.memory_space<vmem>>) target_semaphore(%run_scoped3A : memref<!tpu.dma_semaphore, #tpu.memory_space<semaphore_mem>>)
        %dma_wait3A = tpu.memref_slice %arg2[%mul3A_17] : memref<25165824xf32, #tpu.memory_space<hbm>> -> memref<16384xf32, #tpu.memory_space<hbm>>
        %dma_wait3A_129 = tpu.memref_slice %arg2[%mul3A_17] : memref<25165824xf32, #tpu.memory_space<hbm>> -> memref<16384xf32, #tpu.memory_space<hbm>>
        tpu.wait_dma2 semaphore(%run_scoped3A : memref<!tpu.dma_semaphore, #tpu.memory_space<semaphore_mem>>) src(%dma_wait3A_129 : memref<16384xf32, #tpu.memory_space<hbm>>) dst(%arg5 : memref<16384xf32, #tpu.memory_space<vmem>>)
        tpu.yield
      }) : () -> ()
      %scan3A_18 = arith.constant 0 : i32
      %scan3A_19 = arith.constant 128 : i32
      %scan3A_20 = arith.addi %scan3A_18, %scan3A_19 : i32
      %scan3A_21 = arith.constant 1 : i32
      %scan3A_22:16 = scf.for %scan3A_128 = %scan3A_18 to %scan3A_20 step %scan3A_21 iter_args(%scan3A_129 = %broadcast_in_dim3A_6, %scan3A_130 = %broadcast_in_dim3A_6, %scan3A_131 = %broadcast_in_dim3A_6, %scan3A_132 = %broadcast_in_dim3A_6, %scan3A_133 = %broadcast_in_dim3A_6, %scan3A_134 = %broadcast_in_dim3A_6, %scan3A_135 = %broadcast_in_dim3A_6, %scan3A_136 = %broadcast_in_dim3A_6, %scan3A_137 = %broadcast_in_dim3A_6, %scan3A_138 = %broadcast_in_dim3A_6, %scan3A_139 = %broadcast_in_dim3A_6, %scan3A_140 = %broadcast_in_dim3A_6, %scan3A_141 = %broadcast_in_dim3A_6, %scan3A_142 = %broadcast_in_dim3A_6, %scan3A_143 = %broadcast_in_dim3A_6, %scan3A_144 = %broadcast_in_dim3A_6) -> (vector<16xf32>, vector<16xf32>, vector<16xf32>, vector<16xf32>, vector<16xf32>, vector<16xf32>, vector<16xf32>, vector<16xf32>, vector<16xf32>, vector<16xf32>, vector<16xf32>, vector<16xf32>, vector<16xf32>, vector<16xf32>, vector<16xf32>, vector<16xf32>)  : i32 {
        %mul3A_145 = arith.constant 8 : i32
        %mul3A_146 = arith.muli %scan3A_128, %mul3A_145 : i32
        %add3A_147 = vector.broadcast %mul3A_146 : i32 to vector<16xi32>
        %add3A_148 = arith.addi %mul3A_5, %add3A_147 : vector<16xi32>
        %xor3A = arith.constant 0 : i32
        %xor3A_149 = vector.broadcast %xor3A : i32 to vector<16xi32>
        %xor3A_150 = arith.xori %iota3A, %xor3A_149 : vector<16xi32>
        %and3A = arith.constant 7 : i32
        %and3A_151 = vector.broadcast %and3A : i32 to vector<16xi32>
        %and3A_152 = arith.andi %xor3A_150, %and3A_151 : vector<16xi32>
        %add3A_153 = arith.addi %add3A_148, %and3A_152 : vector<16xi32>
        %gather3A_154 = tpu.vector_load_idx %arg5[%add3A_153] : memref<16384xf32, #tpu.memory_space<vmem>>[vector<16xi32>], vector<16xf32>,
        %xor3A_155 = arith.constant 1 : i32
        %xor3A_156 = vector.broadcast %xor3A_155 : i32 to vector<16xi32>
        %xor3A_157 = arith.xori %iota3A, %xor3A_156 : vector<16xi32>
        %and3A_158 = arith.constant 7 : i32
        %and3A_159 = vector.broadcast %and3A_158 : i32 to vector<16xi32>
        %and3A_160 = arith.andi %xor3A_157, %and3A_159 : vector<16xi32>
        %add3A_161 = arith.addi %add3A_148, %and3A_160 : vector<16xi32>
        %gather3A_162 = tpu.vector_load_idx %arg5[%add3A_161] : memref<16384xf32, #tpu.memory_space<vmem>>[vector<16xi32>], vector<16xf32>,
        %xor3A_163 = arith.constant 2 : i32
        %xor3A_164 = vector.broadcast %xor3A_163 : i32 to vector<16xi32>
        %xor3A_165 = arith.xori %iota3A, %xor3A_164 : vector<16xi32>
        %and3A_166 = arith.constant 7 : i32
        %and3A_167 = vector.broadcast %and3A_166 : i32 to vector<16xi32>
        %and3A_168 = arith.andi %xor3A_165, %and3A_167 : vector<16xi32>
        %add3A_169 = arith.addi %add3A_148, %and3A_168 : vector<16xi32>
        %gather3A_170 = tpu.vector_load_idx %arg5[%add3A_169] : memref<16384xf32, #tpu.memory_space<vmem>>[vector<16xi32>], vector<16xf32>,
        %xor3A_171 = arith.constant 3 : i32
        %xor3A_172 = vector.broadcast %xor3A_171 : i32 to vector<16xi32>
        %xor3A_173 = arith.xori %iota3A, %xor3A_172 : vector<16xi32>
        %and3A_174 = arith.constant 7 : i32
        %and3A_175 = vector.broadcast %and3A_174 : i32 to vector<16xi32>
        %and3A_176 = arith.andi %xor3A_173, %and3A_175 : vector<16xi32>
        %add3A_177 = arith.addi %add3A_148, %and3A_176 : vector<16xi32>
        %gather3A_178 = tpu.vector_load_idx %arg5[%add3A_177] : memref<16384xf32, #tpu.memory_space<vmem>>[vector<16xi32>], vector<16xf32>,
        %xor3A_179 = arith.constant 4 : i32
        %xor3A_180 = vector.broadcast %xor3A_179 : i32 to vector<16xi32>
        %xor3A_181 = arith.xori %iota3A, %xor3A_180 : vector<16xi32>
        %and3A_182 = arith.constant 7 : i32
        %and3A_183 = vector.broadcast %and3A_182 : i32 to vector<16xi32>
        %and3A_184 = arith.andi %xor3A_181, %and3A_183 : vector<16xi32>
        %add3A_185 = arith.addi %add3A_148, %and3A_184 : vector<16xi32>
        %gather3A_186 = tpu.vector_load_idx %arg5[%add3A_185] : memref<16384xf32, #tpu.memory_space<vmem>>[vector<16xi32>], vector<16xf32>,
        %xor3A_187 = arith.constant 5 : i32
        %xor3A_188 = vector.broadcast %xor3A_187 : i32 to vector<16xi32>
        %xor3A_189 = arith.xori %iota3A, %xor3A_188 : vector<16xi32>
        %and3A_190 = arith.constant 7 : i32
        %and3A_191 = vector.broadcast %and3A_190 : i32 to vector<16xi32>
        %and3A_192 = arith.andi %xor3A_189, %and3A_191 : vector<16xi32>
        %add3A_193 = arith.addi %add3A_148, %and3A_192 : vector<16xi32>
        %gather3A_194 = tpu.vector_load_idx %arg5[%add3A_193] : memref<16384xf32, #tpu.memory_space<vmem>>[vector<16xi32>], vector<16xf32>,
        %xor3A_195 = arith.constant 6 : i32
        %xor3A_196 = vector.broadcast %xor3A_195 : i32 to vector<16xi32>
        %xor3A_197 = arith.xori %iota3A, %xor3A_196 : vector<16xi32>
        %and3A_198 = arith.constant 7 : i32
        %and3A_199 = vector.broadcast %and3A_198 : i32 to vector<16xi32>
        %and3A_200 = arith.andi %xor3A_197, %and3A_199 : vector<16xi32>
        %add3A_201 = arith.addi %add3A_148, %and3A_200 : vector<16xi32>
        %gather3A_202 = tpu.vector_load_idx %arg5[%add3A_201] : memref<16384xf32, #tpu.memory_space<vmem>>[vector<16xi32>], vector<16xf32>,
        %xor3A_203 = arith.constant 7 : i32
        %xor3A_204 = vector.broadcast %xor3A_203 : i32 to vector<16xi32>
        %xor3A_205 = arith.xori %iota3A, %xor3A_204 : vector<16xi32>
        %and3A_206 = arith.constant 7 : i32
        %and3A_207 = vector.broadcast %and3A_206 : i32 to vector<16xi32>
        %and3A_208 = arith.andi %xor3A_205, %and3A_207 : vector<16xi32>
        %add3A_209 = arith.addi %add3A_148, %and3A_208 : vector<16xi32>
        %gather3A_210 = tpu.vector_load_idx %arg5[%add3A_209] : memref<16384xf32, #tpu.memory_space<vmem>>[vector<16xi32>], vector<16xf32>,
        %min3A = arith.minimumf %gather3A_154, %gather3A_162 : vector<16xf32>
        %max3A = arith.maximumf %gather3A_154, %gather3A_162 : vector<16xf32>
        %min3A_211 = arith.minimumf %gather3A_170, %gather3A_178 : vector<16xf32>
        %max3A_212 = arith.maximumf %gather3A_170, %gather3A_178 : vector<16xf32>
        %min3A_213 = arith.minimumf %min3A, %min3A_211 : vector<16xf32>
        %max3A_214 = arith.maximumf %min3A, %min3A_211 : vector<16xf32>
        %min3A_215 = arith.minimumf %max3A, %max3A_212 : vector<16xf32>
        %max3A_216 = arith.maximumf %max3A, %max3A_212 : vector<16xf32>
        %min3A_217 = arith.minimumf %min3A_215, %max3A_214 : vector<16xf32>
        %max3A_218 = arith.maximumf %min3A_215, %max3A_214 : vector<16xf32>
        %min3A_219 = arith.minimumf %gather3A_186, %gather3A_194 : vector<16xf32>
        %max3A_220 = arith.maximumf %gather3A_186, %gather3A_194 : vector<16xf32>
        %min3A_221 = arith.minimumf %gather3A_202, %gather3A_210 : vector<16xf32>
        %max3A_222 = arith.maximumf %gather3A_202, %gather3A_210 : vector<16xf32>
        %min3A_223 = arith.minimumf %min3A_219, %min3A_221 : vector<16xf32>
        %max3A_224 = arith.maximumf %min3A_219, %min3A_221 : vector<16xf32>
        %min3A_225 = arith.minimumf %max3A_220, %max3A_222 : vector<16xf32>
        %max3A_226 = arith.maximumf %max3A_220, %max3A_222 : vector<16xf32>
        %min3A_227 = arith.minimumf %min3A_225, %max3A_224 : vector<16xf32>
        %max3A_228 = arith.maximumf %min3A_225, %max3A_224 : vector<16xf32>
        %min3A_229 = arith.minimumf %min3A_213, %min3A_223 : vector<16xf32>
        %max3A_230 = arith.maximumf %min3A_213, %min3A_223 : vector<16xf32>
        %min3A_231 = arith.minimumf %max3A_218, %max3A_228 : vector<16xf32>
        %max3A_232 = arith.maximumf %max3A_218, %max3A_228 : vector<16xf32>
        %min3A_233 = arith.minimumf %min3A_231, %max3A_230 : vector<16xf32>
        %max3A_234 = arith.maximumf %min3A_231, %max3A_230 : vector<16xf32>
        %min3A_235 = arith.minimumf %min3A_217, %min3A_227 : vector<16xf32>
        %max3A_236 = arith.maximumf %min3A_217, %min3A_227 : vector<16xf32>
        %min3A_237 = arith.minimumf %max3A_216, %max3A_226 : vector<16xf32>
        %max3A_238 = arith.maximumf %max3A_216, %max3A_226 : vector<16xf32>
        %min3A_239 = arith.minimumf %min3A_237, %max3A_236 : vector<16xf32>
        %max3A_240 = arith.maximumf %min3A_237, %max3A_236 : vector<16xf32>
        %min3A_241 = arith.minimumf %min3A_235, %min3A_233 : vector<16xf32>
        %max3A_242 = arith.maximumf %min3A_235, %min3A_233 : vector<16xf32>
        %min3A_243 = arith.minimumf %min3A_239, %max3A_234 : vector<16xf32>
        %max3A_244 = arith.maximumf %min3A_239, %max3A_234 : vector<16xf32>
        %min3A_245 = arith.minimumf %max3A_240, %max3A_232 : vector<16xf32>
        %max3A_246 = arith.maximumf %max3A_240, %max3A_232 : vector<16xf32>
        %max3A_247 = arith.maximumf %scan3A_137, %min3A_229 : vector<16xf32>
        %max3A_248 = arith.maximumf %scan3A_138, %min3A_241 : vector<16xf32>
        %max3A_249 = arith.maximumf %scan3A_139, %max3A_242 : vector<16xf32>
        %max3A_250 = arith.maximumf %scan3A_140, %min3A_243 : vector<16xf32>
        %max3A_251 = arith.maximumf %scan3A_141, %max3A_244 : vector<16xf32>
        %max3A_252 = arith.maximumf %scan3A_142, %min3A_245 : vector<16xf32>
        %max3A_253 = arith.maximumf %scan3A_143, %max3A_246 : vector<16xf32>
        %max3A_254 = arith.maximumf %scan3A_144, %max3A_238 : vector<16xf32>
        %max3A_255 = arith.maximumf %scan3A_129, %max3A_247 : vector<16xf32>
        %min3A_256 = arith.minimumf %scan3A_129, %max3A_247 : vector<16xf32>
        %max3A_257 = arith.maximumf %scan3A_130, %max3A_248 : vector<16xf32>
        %min3A_258 = arith.minimumf %scan3A_130, %max3A_248 : vector<16xf32>
        %max3A_259 = arith.maximumf %scan3A_131, %max3A_249 : vector<16xf32>
        %min3A_260 = arith.minimumf %scan3A_131, %max3A_249 : vector<16xf32>
        %max3A_261 = arith.maximumf %scan3A_132, %max3A_250 : vector<16xf32>
        %min3A_262 = arith.minimumf %scan3A_132, %max3A_250 : vector<16xf32>
        %max3A_263 = arith.maximumf %scan3A_133, %max3A_251 : vector<16xf32>
        %min3A_264 = arith.minimumf %scan3A_133, %max3A_251 : vector<16xf32>
        %max3A_265 = arith.maximumf %scan3A_134, %max3A_252 : vector<16xf32>
        %min3A_266 = arith.minimumf %scan3A_134, %max3A_252 : vector<16xf32>
        %max3A_267 = arith.maximumf %scan3A_135, %max3A_253 : vector<16xf32>
        %min3A_268 = arith.minimumf %scan3A_135, %max3A_253 : vector<16xf32>
        %max3A_269 = arith.maximumf %scan3A_136, %max3A_254 : vector<16xf32>
        %min3A_270 = arith.minimumf %scan3A_136, %max3A_254 : vector<16xf32>
        %max3A_271 = arith.maximumf %max3A_255, %max3A_263 : vector<16xf32>
        %min3A_272 = arith.minimumf %max3A_255, %max3A_263 : vector<16xf32>
        %max3A_273 = arith.maximumf %max3A_257, %max3A_265 : vector<16xf32>
        %min3A_274 = arith.minimumf %max3A_257, %max3A_265 : vector<16xf32>
        %max3A_275 = arith.maximumf %max3A_259, %max3A_267 : vector<16xf32>
        %min3A_276 = arith.minimumf %max3A_259, %max3A_267 : vector<16xf32>
        %max3A_277 = arith.maximumf %max3A_261, %max3A_269 : vector<16xf32>
        %min3A_278 = arith.minimumf %max3A_261, %max3A_269 : vector<16xf32>
        %max3A_279 = arith.maximumf %min3A_256, %min3A_264 : vector<16xf32>
        %min3A_280 = arith.minimumf %min3A_256, %min3A_264 : vector<16xf32>
        %max3A_281 = arith.maximumf %min3A_258, %min3A_266 : vector<16xf32>
        %min3A_282 = arith.minimumf %min3A_258, %min3A_266 : vector<16xf32>
        %max3A_283 = arith.maximumf %min3A_260, %min3A_268 : vector<16xf32>
        %min3A_284 = arith.minimumf %min3A_260, %min3A_268 : vector<16xf32>
        %max3A_285 = arith.maximumf %min3A_262, %min3A_270 : vector<16xf32>
        %min3A_286 = arith.minimumf %min3A_262, %min3A_270 : vector<16xf32>
        %max3A_287 = arith.maximumf %max3A_271, %max3A_275 : vector<16xf32>
        %min3A_288 = arith.minimumf %max3A_271, %max3A_275 : vector<16xf32>
        %max3A_289 = arith.maximumf %max3A_273, %max3A_277 : vector<16xf32>
        %min3A_290 = arith.minimumf %max3A_273, %max3A_277 : vector<16xf32>
        %max3A_291 = arith.maximumf %min3A_272, %min3A_276 : vector<16xf32>
        %min3A_292 = arith.minimumf %min3A_272, %min3A_276 : vector<16xf32>
        %max3A_293 = arith.maximumf %min3A_274, %min3A_278 : vector<16xf32>
        %min3A_294 = arith.minimumf %min3A_274, %min3A_278 : vector<16xf32>
        %max3A_295 = arith.maximumf %max3A_279, %max3A_283 : vector<16xf32>
        %min3A_296 = arith.minimumf %max3A_279, %max3A_283 : vector<16xf32>
        %max3A_297 = arith.maximumf %max3A_281, %max3A_285 : vector<16xf32>
        %min3A_298 = arith.minimumf %max3A_281, %max3A_285 : vector<16xf32>
        %max3A_299 = arith.maximumf %min3A_280, %min3A_284 : vector<16xf32>
        %min3A_300 = arith.minimumf %min3A_280, %min3A_284 : vector<16xf32>
        %max3A_301 = arith.maximumf %min3A_282, %min3A_286 : vector<16xf32>
        %min3A_302 = arith.minimumf %min3A_282, %min3A_286 : vector<16xf32>
        %max3A_303 = arith.maximumf %max3A_287, %max3A_289 : vector<16xf32>
        %min3A_304 = arith.minimumf %max3A_287, %max3A_289 : vector<16xf32>
        %max3A_305 = arith.maximumf %min3A_288, %min3A_290 : vector<16xf32>
        %min3A_306 = arith.minimumf %min3A_288, %min3A_290 : vector<16xf32>
        %max3A_307 = arith.maximumf %max3A_291, %max3A_293 : vector<16xf32>
        %min3A_308 = arith.minimumf %max3A_291, %max3A_293 : vector<16xf32>
        %max3A_309 = arith.maximumf %min3A_292, %min3A_294 : vector<16xf32>
        %min3A_310 = arith.minimumf %min3A_292, %min3A_294 : vector<16xf32>
        %max3A_311 = arith.maximumf %max3A_295, %max3A_297 : vector<16xf32>
        %min3A_312 = arith.minimumf %max3A_295, %max3A_297 : vector<16xf32>
        %max3A_313 = arith.maximumf %min3A_296, %min3A_298 : vector<16xf32>
        %min3A_314 = arith.minimumf %min3A_296, %min3A_298 : vector<16xf32>
        %max3A_315 = arith.maximumf %max3A_299, %max3A_301 : vector<16xf32>
        %min3A_316 = arith.minimumf %max3A_299, %max3A_301 : vector<16xf32>
        %max3A_317 = arith.maximumf %min3A_300, %min3A_302 : vector<16xf32>
        %min3A_318 = arith.minimumf %min3A_300, %min3A_302 : vector<16xf32>
        scf.yield %max3A_303, %min3A_304, %max3A_305, %min3A_306, %max3A_307, %min3A_308, %max3A_309, %min3A_310, %max3A_311, %min3A_312, %max3A_313, %min3A_314, %max3A_315, %min3A_316, %max3A_317, %min3A_318 : vector<16xf32>, vector<16xf32>, vector<16xf32>, vector<16xf32>, vector<16xf32>, vector<16xf32>, vector<16xf32>, vector<16xf32>, vector<16xf32>, vector<16xf32>, vector<16xf32>, vector<16xf32>, vector<16xf32>, vector<16xf32>, vector<16xf32>, vector<16xf32>
      }
      %scan3A_23 = arith.constant 128 : i32
      %mul3A_24 = arith.constant 16 : i32
      %mul3A_25 = arith.muli %scan3A_12, %mul3A_24 : i32
      %add3A_26 = vector.broadcast %mul3A_25 : i32 to vector<16xi32>
      %add3A_27 = arith.addi %add3A_26, %iota3A : vector<16xi32>
      %rem3A = arith.constant 384 : i32
      %rem3A_28 = vector.broadcast %rem3A : i32 to vector<16xi32>
      %rem3A_29 = arith.remsi %add3A_27, %rem3A_28 : vector<16xi32>
      %mul3A_30 = arith.constant 16 : i32
      %mul3A_31 = vector.broadcast %mul3A_30 : i32 to vector<16xi32>
      %mul3A_32 = arith.muli %rem3A_29, %mul3A_31 : vector<16xi32>
      %gather3A = tpu.vector_load_idx %arg6[%mul3A_32] : memref<6144xf32, #tpu.memory_space<vmem>>[vector<16xi32>], vector<16xf32>,
      %mul3A_33 = arith.mulf %scan3A_22#0, %gather3A : vector<16xf32>
      %add3A_34 = arith.constant 1 : i32
      %add3A_35 = vector.broadcast %add3A_34 : i32 to vector<16xi32>
      %add3A_36 = arith.addi %mul3A_32, %add3A_35 : vector<16xi32>
      %gather3A_37 = tpu.vector_load_idx %arg6[%add3A_36] : memref<6144xf32, #tpu.memory_space<vmem>>[vector<16xi32>], vector<16xf32>,
      %mul3A_38 = arith.mulf %scan3A_22#1, %gather3A_37 : vector<16xf32>
      %add3A_39 = arith.addf %mul3A_33, %mul3A_38 : vector<16xf32>
      %add3A_40 = arith.constant 2 : i32
      %add3A_41 = vector.broadcast %add3A_40 : i32 to vector<16xi32>
      %add3A_42 = arith.addi %mul3A_32, %add3A_41 : vector<16xi32>
      %gather3A_43 = tpu.vector_load_idx %arg6[%add3A_42] : memref<6144xf32, #tpu.memory_space<vmem>>[vector<16xi32>], vector<16xf32>,
      %mul3A_44 = arith.mulf %scan3A_22#2, %gather3A_43 : vector<16xf32>
      %add3A_45 = arith.addf %add3A_39, %mul3A_44 : vector<16xf32>
      %add3A_46 = arith.constant 3 : i32
      %add3A_47 = vector.broadcast %add3A_46 : i32 to vector<16xi32>
      %add3A_48 = arith.addi %mul3A_32, %add3A_47 : vector<16xi32>
      %gather3A_49 = tpu.vector_load_idx %arg6[%add3A_48] : memref<6144xf32, #tpu.memory_space<vmem>>[vector<16xi32>], vector<16xf32>,
      %mul3A_50 = arith.mulf %scan3A_22#3, %gather3A_49 : vector<16xf32>
      %add3A_51 = arith.addf %add3A_45, %mul3A_50 : vector<16xf32>
      %add3A_52 = arith.constant 4 : i32
      %add3A_53 = vector.broadcast %add3A_52 : i32 to vector<16xi32>
      %add3A_54 = arith.addi %mul3A_32, %add3A_53 : vector<16xi32>
      %gather3A_55 = tpu.vector_load_idx %arg6[%add3A_54] : memref<6144xf32, #tpu.memory_space<vmem>>[vector<16xi32>], vector<16xf32>,
      %mul3A_56 = arith.mulf %scan3A_22#4, %gather3A_55 : vector<16xf32>
      %add3A_57 = arith.addf %add3A_51, %mul3A_56 : vector<16xf32>
      %add3A_58 = arith.constant 5 : i32
      %add3A_59 = vector.broadcast %add3A_58 : i32 to vector<16xi32>
      %add3A_60 = arith.addi %mul3A_32, %add3A_59 : vector<16xi32>
      %gather3A_61 = tpu.vector_load_idx %arg6[%add3A_60] : memref<6144xf32, #tpu.memory_space<vmem>>[vector<16xi32>], vector<16xf32>,
      %mul3A_62 = arith.mulf %scan3A_22#5, %gather3A_61 : vector<16xf32>
      %add3A_63 = arith.addf %add3A_57, %mul3A_62 : vector<16xf32>
      %add3A_64 = arith.constant 6 : i32
      %add3A_65 = vector.broadcast %add3A_64 : i32 to vector<16xi32>
      %add3A_66 = arith.addi %mul3A_32, %add3A_65 : vector<16xi32>
      %gather3A_67 = tpu.vector_load_idx %arg6[%add3A_66] : memref<6144xf32, #tpu.memory_space<vmem>>[vector<16xi32>], vector<16xf32>,
      %mul3A_68 = arith.mulf %scan3A_22#6, %gather3A_67 : vector<16xf32>
      %add3A_69 = arith.addf %add3A_63, %mul3A_68 : vector<16xf32>
      %add3A_70 = arith.constant 7 : i32
      %add3A_71 = vector.broadcast %add3A_70 : i32 to vector<16xi32>
      %add3A_72 = arith.addi %mul3A_32, %add3A_71 : vector<16xi32>
      %gather3A_73 = tpu.vector_load_idx %arg6[%add3A_72] : memref<6144xf32, #tpu.memory_space<vmem>>[vector<16xi32>], vector<16xf32>,
      %mul3A_74 = arith.mulf %scan3A_22#7, %gather3A_73 : vector<16xf32>
      %add3A_75 = arith.addf %add3A_69, %mul3A_74 : vector<16xf32>
      %add3A_76 = arith.constant 8 : i32
      %add3A_77 = vector.broadcast %add3A_76 : i32 to vector<16xi32>
      %add3A_78 = arith.addi %mul3A_32, %add3A_77 : vector<16xi32>
      %gather3A_79 = tpu.vector_load_idx %arg6[%add3A_78] : memref<6144xf32, #tpu.memory_space<vmem>>[vector<16xi32>], vector<16xf32>,
      %mul3A_80 = arith.mulf %scan3A_22#8, %gather3A_79 : vector<16xf32>
      %add3A_81 = arith.addf %add3A_75, %mul3A_80 : vector<16xf32>
      %add3A_82 = arith.constant 9 : i32
      %add3A_83 = vector.broadcast %add3A_82 : i32 to vector<16xi32>
      %add3A_84 = arith.addi %mul3A_32, %add3A_83 : vector<16xi32>
      %gather3A_85 = tpu.vector_load_idx %arg6[%add3A_84] : memref<6144xf32, #tpu.memory_space<vmem>>[vector<16xi32>], vector<16xf32>,
      %mul3A_86 = arith.mulf %scan3A_22#9, %gather3A_85 : vector<16xf32>
      %add3A_87 = arith.addf %add3A_81, %mul3A_86 : vector<16xf32>
      %add3A_88 = arith.constant 10 : i32
      %add3A_89 = vector.broadcast %add3A_88 : i32 to vector<16xi32>
      %add3A_90 = arith.addi %mul3A_32, %add3A_89 : vector<16xi32>
      %gather3A_91 = tpu.vector_load_idx %arg6[%add3A_90] : memref<6144xf32, #tpu.memory_space<vmem>>[vector<16xi32>], vector<16xf32>,
      %mul3A_92 = arith.mulf %scan3A_22#10, %gather3A_91 : vector<16xf32>
      %add3A_93 = arith.addf %add3A_87, %mul3A_92 : vector<16xf32>
      %add3A_94 = arith.constant 11 : i32
      %add3A_95 = vector.broadcast %add3A_94 : i32 to vector<16xi32>
      %add3A_96 = arith.addi %mul3A_32, %add3A_95 : vector<16xi32>
      %gather3A_97 = tpu.vector_load_idx %arg6[%add3A_96] : memref<6144xf32, #tpu.memory_space<vmem>>[vector<16xi32>], vector<16xf32>,
      %mul3A_98 = arith.mulf %scan3A_22#11, %gather3A_97 : vector<16xf32>
      %add3A_99 = arith.addf %add3A_93, %mul3A_98 : vector<16xf32>
      %add3A_100 = arith.constant 12 : i32
      %add3A_101 = vector.broadcast %add3A_100 : i32 to vector<16xi32>
      %add3A_102 = arith.addi %mul3A_32, %add3A_101 : vector<16xi32>
      %gather3A_103 = tpu.vector_load_idx %arg6[%add3A_102] : memref<6144xf32, #tpu.memory_space<vmem>>[vector<16xi32>], vector<16xf32>,
      %mul3A_104 = arith.mulf %scan3A_22#12, %gather3A_103 : vector<16xf32>
      %add3A_105 = arith.addf %add3A_99, %mul3A_104 : vector<16xf32>
      %add3A_106 = arith.constant 13 : i32
      %add3A_107 = vector.broadcast %add3A_106 : i32 to vector<16xi32>
      %add3A_108 = arith.addi %mul3A_32, %add3A_107 : vector<16xi32>
      %gather3A_109 = tpu.vector_load_idx %arg6[%add3A_108] : memref<6144xf32, #tpu.memory_space<vmem>>[vector<16xi32>], vector<16xf32>,
      %mul3A_110 = arith.mulf %scan3A_22#13, %gather3A_109 : vector<16xf32>
      %add3A_111 = arith.addf %add3A_105, %mul3A_110 : vector<16xf32>
      %add3A_112 = arith.constant 14 : i32
      %add3A_113 = vector.broadcast %add3A_112 : i32 to vector<16xi32>
      %add3A_114 = arith.addi %mul3A_32, %add3A_113 : vector<16xi32>
      %gather3A_115 = tpu.vector_load_idx %arg6[%add3A_114] : memref<6144xf32, #tpu.memory_space<vmem>>[vector<16xi32>], vector<16xf32>,
      %mul3A_116 = arith.mulf %scan3A_22#14, %gather3A_115 : vector<16xf32>
      %add3A_117 = arith.addf %add3A_111, %mul3A_116 : vector<16xf32>
      %add3A_118 = arith.constant 15 : i32
      %add3A_119 = vector.broadcast %add3A_118 : i32 to vector<16xi32>
      %add3A_120 = arith.addi %mul3A_32, %add3A_119 : vector<16xi32>
      %gather3A_121 = tpu.vector_load_idx %arg6[%add3A_120] : memref<6144xf32, #tpu.memory_space<vmem>>[vector<16xi32>], vector<16xf32>,
      %mul3A_122 = arith.mulf %scan3A_22#15, %gather3A_121 : vector<16xf32>
      %add3A_123 = arith.addf %add3A_117, %mul3A_122 : vector<16xf32>
      %mul3A_124 = arith.constant 16 : i32
      %mul3A_125 = arith.muli %scan3A_12, %mul3A_124 : i32
      %add3A_126 = vector.broadcast %mul3A_125 : i32 to vector<16xi32>
      %add3A_127 = arith.addi %add3A_126, %iota3A : vector<16xi32>
      tpu.vector_store_idx %arg7[%add3A_127], %add3A_123 : memref<768xf32, #tpu.memory_space<vmem>>[vector<16xi32>], vector<16xf32>,
    }
    %scan3A_11 = arith.constant 48 : i32
    "tpu.region"() ({
      %run_scoped3A = tpu.sem_alloc : memref<!tpu.dma_semaphore, #tpu.memory_space<semaphore_mem>>
      %dma_start3A = tpu.memref_slice %arg4[%mul3A_2] : memref<24576xf32, #tpu.memory_space<hbm>> -> memref<768xf32, #tpu.memory_space<hbm>>
      %dma_start3A_12 = tpu.memref_slice %arg4[%mul3A_2] : memref<24576xf32, #tpu.memory_space<hbm>> -> memref<768xf32, #tpu.memory_space<hbm>>
      tpu.enqueue_dma source(%arg7 : memref<768xf32, #tpu.memory_space<vmem>>) target(%dma_start3A_12 : memref<768xf32, #tpu.memory_space<hbm>>) target_semaphore(%run_scoped3A : memref<!tpu.dma_semaphore, #tpu.memory_space<semaphore_mem>>)
      %dma_wait3A = tpu.memref_slice %arg4[%mul3A_2] : memref<24576xf32, #tpu.memory_space<hbm>> -> memref<768xf32, #tpu.memory_space<hbm>>
      %dma_wait3A_13 = tpu.memref_slice %arg4[%mul3A_2] : memref<24576xf32, #tpu.memory_space<hbm>> -> memref<768xf32, #tpu.memory_space<hbm>>
      tpu.wait_dma2 semaphore(%run_scoped3A : memref<!tpu.dma_semaphore, #tpu.memory_space<semaphore_mem>>) src(%arg7 : memref<768xf32, #tpu.memory_space<vmem>>) dst(%dma_wait3A_13 : memref<768xf32, #tpu.memory_space<hbm>>)
      tpu.yield
    }) : () -> ()
    return
  }
}

</mosaic_0001>

<sc_bundles>
// kernel: kernel.3.cloned.1.call-start
scs
__scs_entry_jumppad:
0x0: {  	(pc) =	sbr.rel $0x88, $3  }
0x1: {  	(tag) =	ssettag $0x0;
	lr =	simm.s32 $0x1  }
0x2: {  	[smem:$0x3F9F] =	sst lr;
	_ =	strace $0xD0000000  }
0x3: {  	_ = 	snop  }
0x4: {  	_ = 	snop  }
0x5: {  	_ = 	snop  }
0x6: {  	_ = 	snop  }
0x7: {  	_ = 	snop  }
__scs_overlays_trampoline_lowered:
0x8: {  	[smem:$0x3FAE] =	sst s0  }
0x9: {  	[smem:$0x3FAF] =	sst s1  }
0xa: {  	[smem:$0x3FB0] =	sst s2  }
0xb: {  	[smem:$0x3FB1] =	sst s3  }
0xc: {  	[smem:$0x3FB2] =	sst s4  }
0xd: {  	[smem:$0x3FB3] =	sst s5  }
0xe: {  	[smem:$0x3FB4] =	sst s6  }
0xf: {  	[smem:$0x3FB5] =	sst s7  }
0x10: {  	[smem:$0x3FB6] =	sst s8  }
0x11: {  	[smem:$0x3FB7] =	sst s9;
	s0 =	simm.s32 @!p0 $0x0  }
0x12: {  	s1 =	sld [smem:$0x3F9D];
	s0 =	simm.s32 @p0 $0x1  }
0x13: {  	[smem:$0x3FB8] =	sst s0;
	s0 =	simm.s32 @!p1 $0x0  }
0x14: {  	s2 =	sld [smem:$0x3F9C];
	s0 =	simm.s32 @p1 $0x1  }
0x15: {  	[smem:$0x3FB9] =	sst s0;
	s0 =	simm.s32 @!p2 $0x0  }
0x16: {  	s3 =	sld [smem:$0x3FDB];
	s0 =	simm.s32 @p2 $0x1  }
0x17: {  	s4 =	simm.s32 $0x1BF5;
	[smem:$0x3FBB] =	sst s0  }
0x18: {  	s0 =	sld [smem:$0x3F9E];
	_ =	swait.ge [sflag:s4], $0x0  }
0x19: {  	s7 =	sld [smem:$0x3F9F]  }
0x1a: {  	s8 =	sadd.s32 $0xFFFFE003, lr  }
0x1b: {  	s9 =	sadd.s32 $0xFFFFFEF7, lr;
	s5 =	simm.s32 $0xFFFFFFFF;
	p2 =	slt.u32 s8, $0xFFFFF086  }
0x1c: {  	p1 =	slt.u32 s9, $0xF7A;
	s5 =	simm.s32 @!p2 $0x0  }
0x1d: {  	s5 =	simm.s32 @p1 $0x1;
	p0 =	seq.s32 s7, s2  }
0x1e: {  	s7 =	smul.u32 @!p0 $0xF7A, s2;
	p2 =	seq.s32 @!p0 s5, $0x0  }
0x1f: {  	s9 =	smul.u32 $0xF7A, s1;
	s8 =	simm.s32 @!p0 $0x1BF5;
	p2 =	por !p2, p0  }
0x20: {  	[sflag:s8] =	ssyncset.s32 @!p0 $0xFFFFF086;
	s6 =	sadd.s32 @!p0 s3, s7;
	s7 =	simm.s32 @!p0 $0x108  }
0x21: {  	s3 =	sadd.s32 s3, s9;
	s6 =	sadd.s32 @!p0 $0x88, s6;
	s7 =	simm.s32 @p2 $0x1082  }
0x22: {  	[simem:s7], [sflag:s8] =	dma.local @!p0 [hbm:s6], $0xF7A  }
0x23: {  	s9 =	sor.u32 $0xD0000000, s2;
	s6 =	simm.s32 $0x108;
	_ =	swait.ge @!p0 [sflag:s8], $0x0  }
0x24: {  	s3 =	sadd.s32 $0x88, s3;
	s6 =	simm.s32 @!p1 $0x1082;
	[sflag:s4] =	ssyncset.s32 $0xFFFFF086  }
0x25: {  	[simem:s6], [sflag:s4] =	dma.local [hbm:s3], $0xF7A  }
0x26: {  	[smem:$0x3F9F] =	sst s1;
	(tag) =	ssettag s2;
	_ =	strace s9  }
0x27: {  	s1 =	sld [smem:$0x3FAF]  }
0x28: {  	s2 =	sld [smem:$0x3FB0]  }
0x29: {  	s4 =	sld [smem:$0x3FB2]  }
0x2a: {  	p0 =	seq.s32 s5, $0x0;
	s5 =	sld [smem:$0x3FB3]  }
0x2b: {  	s6 =	sld [smem:$0x3FB4]  }
0x2c: {  	s7 =	sld [smem:$0x3FB5]  }
0x2d: {  	s3 =	simm.s32 $0x108;
	s8 =	sld [smem:$0x3FB6]  }
0x2e: {  	s3 =	simm.s32 @!p0 $0x1082;
	s9 =	sld [smem:$0x3FB7]  }
0x2f: {  	lr =	sadd.s32 s0, s3;
	s0 =	sld [smem:$0x3FAE]  }
0x30: {  	s3 =	sld [smem:$0x3FB1]  }
0x31: {  	[smem:$0x3FBA] =	sst s10  }
0x32: {  	s10 =	sld [smem:$0x3FB8];
	_ =	sdelay $0x3  }
0x33: {  	p0 =	seq.s32 s10, $0x1;
	s10 =	sld [smem:$0x3FBA];
	_ =	sdelay $0x3  }
0x34: {  	[smem:$0x3FBA] =	sst s10  }
0x35: {  	s10 =	sld [smem:$0x3FB9];
	_ =	sdelay $0x3  }
0x36: {  	p1 =	seq.s32 s10, $0x1;
	s10 =	sld [smem:$0x3FBA];
	_ =	sdelay $0x3  }
0x37: {  	[smem:$0x3FBA] =	sst s10  }
0x38: {  	s10 =	sld [smem:$0x3FBB]  }
0x39: {  	_ = 	snop;
	(pc) =	sbr.ind lr, $3  }
0x3a: {  	_ = 	snop  }
0x3b: {  	_ = 	snop  }
0x3c: {  	p2 =	seq.s32 s10, $0x1;
	s10 =	sld [smem:$0x3FBA]  }
0x3d: {  	_ =	shalt  }
0x3e: {  	_ =	shalt  }
0x3f: {  	_ =	shalt  }
0x40: {  	_ =	shalt  }
0x41: {  	_ =	shalt  }
0x42: {  	_ =	shalt  }
0x43: {  	_ =	shalt  }
0x44: {  	_ =	shalt  }
0x45: {  	_ =	shalt  }
0x46: {  	_ =	shalt  }
0x47: {  	_ =	shalt  }
0x48: {  	_ =	shalt  }
0x49: {  	_ =	shalt  }
0x4a: {  	_ =	shalt  }
0x4b: {  	_ =	shalt  }
0x4c: {  	_ =	shalt  }
0x4d: {  	_ =	shalt  }
0x4e: {  	_ =	shalt  }
0x4f: {  	_ =	shalt  }
0x50: {  	_ =	shalt  }
0x51: {  	_ =	shalt  }
0x52: {  	_ =	shalt  }
0x53: {  	_ =	shalt  }
0x54: {  	_ =	shalt  }
0x55: {  	_ =	shalt  }
0x56: {  	_ =	shalt  }
0x57: {  	_ =	shalt  }
0x58: {  	_ =	shalt  }
0x59: {  	_ =	shalt  }
0x5a: {  	_ =	shalt  }
0x5b: {  	_ =	shalt  }
0x5c: {  	_ =	shalt  }
0x5d: {  	_ =	shalt  }
0x5e: {  	_ =	shalt  }
0x5f: {  	_ =	shalt  }
0x60: {  	_ =	shalt  }
0x61: {  	_ =	shalt  }
0x62: {  	_ =	shalt  }
0x63: {  	_ =	shalt  }
0x64: {  	_ =	shalt  }
0x65: {  	_ =	shalt  }
0x66: {  	_ =	shalt  }
0x67: {  	_ =	shalt  }
0x68: {  	_ =	shalt  }
0x69: {  	_ =	shalt  }
0x6a: {  	_ =	shalt  }
0x6b: {  	_ =	shalt  }
0x6c: {  	_ =	shalt  }
0x6d: {  	_ =	shalt  }
0x6e: {  	_ =	shalt  }
0x6f: {  	_ =	shalt  }
0x70: {  	_ =	shalt  }
0x71: {  	_ =	shalt  }
0x72: {  	_ =	shalt  }
0x73: {  	_ =	shalt  }
0x74: {  	_ =	shalt  }
0x75: {  	_ =	shalt  }
0x76: {  	_ =	shalt  }
0x77: {  	_ =	shalt  }
0x78: {  	_ =	shalt  }
0x79: {  	_ =	shalt  }
0x7a: {  	_ =	shalt  }
0x7b: {  	_ =	shalt  }
0x7c: {  	_ =	shalt  }
0x7d: {  	_ =	shalt  }
0x7e: {  	_ =	shalt  }
0x7f: {  	_ =	shalt  }
0x80: {  	_ =	shalt  }
0x81: {  	_ =	shalt  }
0x82: {  	_ =	shalt  }
0x83: {  	_ =	shalt  }
0x84: {  	_ =	shalt  }
0x85: {  	_ =	shalt  }
0x86: {  	_ =	shalt  }
0x87: {  	_ =	shalt  }
.Lfunc_end0:
.L_simem_size_0:
called_computation_lowered:
.L_overlay_start_0:
0x88: {  	s2 =	sld [smem:$0x3FD9]  }
0x89: {  	s3 =	sld [smem:$0x3FFE];
	_ =	sdelay $0x1  }
0x8a: {  	s1 =	srdreg.scid  }
0x8b: {  	s0 =	sand.u32 $0x1, s1  }
0x8c: {  	s17 =	sshll.u32 s0, $0xA;
	s2 =	sadd.s32 s3, s2  }
0x8d: {  	s2 =	sadd.s32 s2, s17  }
0x8e: {  	[smem:$0x3FC6] =	sst s2  }
0x8f: {  	_ = 	snop  }
0x90: {  	s2 =	sld [smem:$0x3FD0];
	(tm) =	ssettm $0x1  }
0x91: {  	s18 =	sld [smem:$0x3FFB];
	_ =	sdelay $0x3  }
0x92: {  	_ =	strace s18  }
0x93: {  	s3 =	sld [smem:$0x3FFC];
	_ =	sdelay $0x3  }
0x94: {  	_ =	strace s3  }
0x95: {  	s3 =	sld [smem:$0x3FFD];
	_ =	sdelay $0x3  }
0x96: {  	_ =	strace s3  }
0x97: {  	_ =	strace $0x8FFFFFFF  }
0x98: {  	s19 =	sld [smem:$0x3FDB];
	_ =	sdelay $0x1  }
0x99: {  	s4 =	simm.s32 $_scs_section_size  }
0x9a: {  	s5 =	simm.s32 $_size__tile_overlayer_lowered;
	s6 =	simm.s32 $_tile_overlayer_lowered  }
0x9b: {  	s22 =	simm.s32 $0x1BFF;
	s21 =	sshll.u32 s6, $0x1;
	s3 =	sadd.s32 s4, s19  }
0x9c: {  	s7 =	simm.s32 $0x0;
	s20 =	sshll.u32 s5, $0x1;
	s5 =	sadd.s32 s21, s3  }
0x9d: {  	[timem:s7], [sflag:s22] =	dma.local [hbm:s5], s20  }
0x9e: {  	_ =	swait.ge [sflag:s22], s20  }
0x9f: {  	s4 =	ssub.s32 $0x0, s20;
	[sflag:s22] =	ssyncset.done $0x0  }
0xa0: {  	[sflag:s22] =	ssyncadd.s32 s4;
	_ =	sdelay $0x1  }
0xa1: {  	s23 =	simm.s32 $0x1B8B  }
0xa2: {  	_ =	swait.ge [sflag:s23], $0x1  }
0xa3: {  	[sflag:s23] =	ssyncset.done $0x0  }
0xa4: {  	s25 =	simm.s32 $0x1B8E;
	s24 =	sld [smem:$0x3FFE];
	[sflag:s23] =	ssyncadd.s32 $0xFFFFFFFF  }
0xa5: {  	s26 =	simm.s32 $execute0_lowered;
	[smem:$0x3FD2] =	sst s25  }
0xa6: {  	s5 =	sshll.u32 s26, $0x1;
	_ =	strace $0x80000046;
	[dreg:$0x1] =	wrdreg $0xFFFFFFFF  }
0xa7: {  	s28 =	simm.s32 $_size_execute0_lowered;
	s3 =	sadd.s32 s3, s5;
	[dreg:$0x0] =	wrdreg $0x0  }
0xa8: {  	s5 =	sshll.u32 s28, $0x1;
	[dreg:$0x2] =	wrdreg s3  }
0xa9: {  	[dreg:$0x3] =	wrdreg s5  }
0xaa: {  	[dreg:$0x4] =	wrdreg $0xC0  }
0xab: {  	_ =	task [dreg:s7], $0x5FFFF  }
0xac: {  	[dreg:$0x1] =	wrdreg $0xFFFFFFFF  }
0xad: {  	[dreg:$0x0] =	wrdreg $0x60  }
0xae: {  	[dreg:$0x2] =	wrdreg s24  }
0xaf: {  	[dreg:$0x3] =	wrdreg s2  }
0xb0: {  	[dreg:$0x4] =	wrdreg $0x9  }
0xb1: {  	_ =	task.clear_ibuf [dreg:s7], $0x5FFFF;
	_ =	strace $0x90000046  }
0xb2: {  	s29 =	simm.s32 $0x9;
	_ =	strace $0x80000048  }
0xb3: {  	_ =	swait.ge [sflag:s29], $0x1  }
0xb4: {  	[sflag:s29] =	ssyncadd.s32 $0xFFFFFFFF  }
0xb5: {  	_ =	strace $0x90000048  }
0xb6: {  	_ =	sfence  }
0xb7: {  	s30 =	sld [smem:$0x0];
	_ =	sdelay $0x2  }
0xb8: {  	s31 =	sshll.u32 s1, $0xD;
	s1 =	sshrl.u32 s1, $0x2  }
0xb9: {  	s3 =	sand.u32 $0x4000, s31;
	s1 =	sadd.s32 s1, s30  }
0xba: {  	s0 =	sor.u32 s3, s0;
	s1 =	sshll.u32 s1, $0x11  }
0xbb: {  	s0 =	sor.u32 s1, s0  }
0xbc: {  	s0 =	sadd.s32 $0x8F2B, s0  }
0xbd: {  	[sflag:s0] =	ssyncadd.remote.s32 $0x1  }
0xbe: {  	_ =	sfence.sel $0xFFFF  }
0xbf: {  	[dreg:$0x0] =	wrdreg $0xFFFFFFFF;
	(pc) =	sbr.abs _section_cstart, $3  }
0xc0: {  	[dreg:$0x1] =	wrdreg $0xFFFFFFFF  }
0xc1: {  	_ =	task.clear_ibuf [dreg:s7], $0x2FFFF;
	_ =	strace $0x9FFFFFFF  }
0xc2: {  	(tm) =	ssettm $0x7FFFFFFF  }
0xc3: {  	_ =	shalt  }
tec
execute0_lowered:
.L_overlay_start_1:
0x0: {  	(tag) =	ssettag $0x1  }
0x1: {  	v0 =	vimm.s32 $0x3C07;
	vm9 =	vcmask $0x300;
	v1 =	vimm.s32 $0x3C06  }
0x2: {  	vm10 =	vcmask $0x704;
	vm11 =	vcmask $0xB08;
	vm12 =	vcmask $0xF0C  }
0x3: {  	vm13 =	vcmask $0x1310;
	vm14 =	vcmask $0x1714;
	vm8 =	vcmask $0x1B18  }
0x4: {  	vm7 =	vcmask $0x1F1C;
	vm6 =	vcmask $0x2320;
	vm5 =	vcmask $0x2724  }
0x5: {  	vm4 =	vcmask $0x2B28;
	vm3 =	vcmask $0x2F2C;
	vm2 =	vcmask $0x3330  }
0x6: {  	vm0 =	vcmask $0x3734;
	vm1 =	vcmask $0x3B38;
	v2 =	vimm.s32 $0x3C05  }
0x7: {  	v3 =	vimm.s32 $0x3C04;
	v4 =	vimm.s32 $0x3C03;
	v5 =	vimm.s32 $0x3C02  }
0x8: {  	v6 =	vimm.s32 $0x3C01;
	v7 =	vimm.s32 $0x3C00;
	v8 =	vlaneseq.u32  }
0x9: {  	v0 =	vsel vm9, $0x0, v0;
	v1 =	vsel vm9, $0x1, v1;
	v2 =	vsel vm9, $0x2, v2  }
0xa: {  	v3 =	vsel vm9, $0x3, v3;
	v4 =	vsel vm9, $0x4, v4;
	v5 =	vsel vm9, $0x5, v5  }
0xb: {  	v6 =	vsel vm9, $0x6, v6;
	v7 =	vsel vm9, $0x7, v7;
	v0 =	vsel vm10, $0x401, v0  }
0xc: {  	v1 =	vsel vm10, $0x400, v1;
	v2 =	vsel vm10, $0x403, v2;
	v3 =	vsel vm10, $0x402, v3  }
0xd: {  	v4 =	vsel vm10, $0x405, v4;
	v5 =	vsel vm10, $0x404, v5;
	v6 =	vsel vm10, $0x407, v6  }
0xe: {  	v7 =	vsel vm10, $0x406, v7;
	v0 =	vsel vm11, $0x802, v0;
	v1 =	vsel vm11, $0x803, v1  }
0xf: {  	v2 =	vsel vm11, $0x800, v2;
	v3 =	vsel vm11, $0x801, v3;
	v4 =	vsel vm11, $0x806, v4  }
0x10: {  	v5 =	vsel vm11, $0x807, v5;
	v6 =	vsel vm11, $0x804, v6;
	v7 =	vsel vm11, $0x805, v7  }
0x11: {  	v0 =	vsel vm12, $0xC03, v0;
	v1 =	vsel vm12, $0xC02, v1;
	v2 =	vsel vm12, $0xC01, v2  }
0x12: {  	v3 =	vsel vm12, $0xC00, v3;
	v4 =	vsel vm12, $0xC07, v4;
	v5 =	vsel vm12, $0xC06, v5  }
0x13: {  	v6 =	vsel vm12, $0xC05, v6;
	v7 =	vsel vm12, $0xC04, v7;
	v0 =	vsel vm13, $0x1004, v0  }
0x14: {  	v1 =	vsel vm13, $0x1005, v1;
	v2 =	vsel vm13, $0x1006, v2;
	v3 =	vsel vm13, $0x1007, v3  }
0x15: {  	v4 =	vsel vm13, $0x1000, v4;
	v5 =	vsel vm13, $0x1001, v5;
	v6 =	vsel vm13, $0x1002, v6  }
0x16: {  	v7 =	vsel vm13, $0x1003, v7;
	v0 =	vsel vm14, $0x1405, v0;
	v1 =	vsel vm14, $0x1404, v1  }
0x17: {  	v2 =	vsel vm14, $0x1407, v2;
	v3 =	vsel vm14, $0x1406, v3;
	v4 =	vsel vm14, $0x1401, v4  }
0x18: {  	v5 =	vsel vm14, $0x1400, v5;
	v6 =	vsel vm14, $0x1403, v6;
	v7 =	vsel vm14, $0x1402, v7  }
0x19: {  	v0 =	vsel vm8, $0x1806, v0;
	v1 =	vsel vm8, $0x1807, v1;
	v2 =	vsel vm8, $0x1804, v2  }
0x1a: {  	v3 =	vsel vm8, $0x1805, v3;
	v4 =	vsel vm8, $0x1802, v4;
	v5 =	vsel vm8, $0x1803, v5  }
0x1b: {  	v6 =	vsel vm8, $0x1800, v6;
	v7 =	vsel vm8, $0x1801, v7;
	v0 =	vsel vm7, $0x1C07, v0  }
0x1c: {  	v1 =	vsel vm7, $0x1C06, v1;
	v2 =	vsel vm7, $0x1C05, v2;
	v3 =	vsel vm7, $0x1C04, v3  }
0x1d: {  	v4 =	vsel vm7, $0x1C03, v4;
	v5 =	vsel vm7, $0x1C02, v5;
	v6 =	vsel vm7, $0x1C01, v6  }
0x1e: {  	v7 =	vsel vm7, $0x1C00, v7;
	v0 =	vsel vm6, $0x2000, v0;
	v1 =	vsel vm6, $0x2001, v1  }
0x1f: {  	v2 =	vsel vm6, $0x2002, v2;
	v3 =	vsel vm6, $0x2003, v3;
	v4 =	vsel vm6, $0x2004, v4  }
0x20: {  	v5 =	vsel vm6, $0x2005, v5;
	v6 =	vsel vm6, $0x2006, v6;
	v7 =	vsel vm6, $0x2007, v7  }
0x21: {  	v0 =	vsel vm5, $0x2401, v0;
	v1 =	vsel vm5, $0x2400, v1;
	v2 =	vsel vm5, $0x2403, v2  }
0x22: {  	v3 =	vsel vm5, $0x2402, v3;
	v4 =	vsel vm5, $0x2405, v4;
	v5 =	vsel vm5, $0x2404, v5  }
0x23: {  	v6 =	vsel vm5, $0x2407, v6;
	v7 =	vsel vm5, $0x2406, v7;
	v0 =	vsel vm4, $0x2802, v0  }
0x24: {  	v1 =	vsel vm4, $0x2803, v1;
	v2 =	vsel vm4, $0x2800, v2;
	v3 =	vsel vm4, $0x2801, v3  }
0x25: {  	v4 =	vsel vm4, $0x2806, v4;
	v5 =	vsel vm4, $0x2807, v5;
	v6 =	vsel vm4, $0x2804, v6  }
0x26: {  	v7 =	vsel vm4, $0x2805, v7;
	v0 =	vsel vm3, $0x2C03, v0;
	v1 =	vsel vm3, $0x2C02, v1  }
0x27: {  	v2 =	vsel vm3, $0x2C01, v2;
	v3 =	vsel vm3, $0x2C00, v3;
	v4 =	vsel vm3, $0x2C07, v4  }
0x28: {  	s1 =	srdreg.scid;
	v5 =	vsel vm3, $0x2C06, v5;
	v6 =	vsel vm3, $0x2C05, v6;
	v7 =	vsel vm3, $0x2C04, v7  }
0x29: {  	s0 =	stileid.u32;
	s6 =	rddreg [dreg:$0x0];
	v0 =	vsel vm2, $0x3004, v0;
	v1 =	vsel vm2, $0x3005, v1;
	v2 =	vsel vm2, $0x3006, v2  }
0x2a: {  	s2 =	rddreg [dreg:$0x1];
	s5 =	sand.u32 $0x1, s1;
	s31 =	sshll.u32 s0, $0x1;
	v3 =	vsel vm2, $0x3007, v3;
	v4 =	vsel vm2, $0x3000, v4;
	v5 =	vsel vm2, $0x3001, v5  }
0x2b: {  	s3 =	simm.s32 $0x0;
	s10 =	simm.s32 $0x5800;
	s4 =	sor.u32 s5, s31;
	v6 =	vsel vm2, $0x3002, v6;
	v7 =	vsel vm2, $0x3003, v7;
	v0 =	vsel vm0, $0x3405, v0  }
0x2c: {  	s11 =	simm.s32 $0x0;
	[smem:$0x7FF] =	sst s3;
	s4 =	smul.u32 $0x300, s4;
	v1 =	vsel vm0, $0x3404, v1;
	v2 =	vsel vm0, $0x3407, v2;
	v3 =	vsel vm0, $0x3406, v3  }
0x2d: {  	s1 =	rddreg [dreg:$0x2];
	s7 =	ssub.s32 $0x2, s5;
	_ =	strace $0x80000047;
	v4 =	vsel vm0, $0x3401, v4;
	v5 =	vsel vm0, $0x3400, v5;
	v6 =	vsel vm0, $0x3403, v6  }
0x2e: {  	s5 =	sadd.s32 $0xC00600, s6;
	s9 =	sshrl.u32 s7, $0x1;
	s8 =	sshrl.u32 s4, $0x3;
	v7 =	vsel vm0, $0x3402, v7;
	v0 =	vsel vm1, $0x3806, v0;
	v1 =	vsel vm1, $0x3807, v1  }
0x2f: {  	s7 =	ssub.s32 s7, s9;
	s9 =	simm.s32 $0x1;
	s6 =	sadd.s32 s8, s6;
	v2 =	vsel vm1, $0x3804, v2;
	v3 =	vsel vm1, $0x3805, v3;
	v4 =	vsel vm1, $0x3802, v4  }
0x30: {  	s7 =	smax.u32 s7, $0x1;
	s8 =	simm.s32 $0x4000;
	s6 =	sadd.s32 $0x600, s6;
	v5 =	vsel vm1, $0x3803, v5;
	v6 =	vsel vm1, $0x3800, v6;
	v7 =	vsel vm1, $0x3801, v7  }
.LBB2_1:
0x31: {  	[tilespmem:s8], [sflag:$0x1] =	stream.linear.gather [hbm4b:s2+s3], $0x1800, $0x38;
	[tilespmem:$0x5B00] =	vst v63  }
0x32: {  	_ =	swait.ge [sflag:s9], $0x1800  }
0x33: {  	[sflag:s9] =	ssyncset.done $0x0  }
0x34: {  	s12 =	simm.s32 $0x0;
	[sflag:s9] =	ssyncadd.s32 $0xFFFFE800  }
.LBB2_2:
0x35: {  	s13 =	sshll.u32 s12, $0x4  }
0x36: {  	s14 =	sadd.s32 s4, s13  }
0x37: {  	s15 =	simm.s32 $0x0;
	s14 =	sshll.u32 s14, $0x7  }
0x38: {  	v10 =	vor.u32 s15, v5;
	s14 =	sadd.s32 s5, s14  }
0x39: {  	v11 =	vor.u32 s15, v6;
	[tilespmem:s15], [sflag:$0x1] =	stream.linear.gather [hbm4b:s14+s15], $0x4000, $0x38;
	[tilespmem:$0x5B00] =	vst v63  }
0x3a: {  	v12 =	vor.u32 s15, v7;
	_ =	swait.ge [sflag:s9], $0x4000  }
0x3b: {  	v13 =	vor.u32 s15, v4;
	[sflag:s9] =	ssyncset.done $0x0  }
0x3c: {  	v9 =	vor.u32 s15, v0;
	[sflag:s9] =	ssyncadd.s32 $0xFFFFC000  }
0x3d: {  	v15 =	vor.u32 s15, v1;
	v10 =	vld.idx.msk [tilespmem:v10+s3+$0x0], $0xffff  }
0x3e: {  	v14 =	vor.u32 s15, v3;
	v11 =	vld.idx.msk [tilespmem:v11+s3+$0x0], $0xffff  }
0x3f: {  	v16 =	vor.u32 s15, v2;
	v12 =	vld.idx.msk [tilespmem:v12+s3+$0x0], $0xffff  }
0x40: {  	v13 =	vld.idx.msk [tilespmem:v13+s3+$0x0], $0xffff  }
0x41: {  	v9 =	vld.idx.msk [tilespmem:v9+s3+$0x0], $0xffff  }
0x42: {  	v17 =	vimm.f32 $-Inf;
	v15 =	vld.idx.msk [tilespmem:v15+s3+$0x0], $0xffff  }
0x43: {  	v23 =	vimm.f32 $-Inf;
	v26 =	vimm.f32 $-Inf;
	v21 =	vimm.f32 $-Inf;
	v14 =	vld.idx.msk [tilespmem:v14+s3+$0x0], $0xffff  }
0x44: {  	v20 =	vimm.f32 $-Inf;
	v22 =	vimm.f32 $-Inf;
	v16 =	vld.idx.msk [tilespmem:v16+s3+$0x0], $0xffff;
	v18 =	vmax.f32 v11, v12  }
0x45: {  	v19 =	vmin.f32 v13, v10;
	v10 =	vmax.f32 v13, v10;
	v11 =	vmin.f32 v11, v12  }
0x46: {  	v12 =	vmax.f32 v19, v11;
	v13 =	vmin.f32 v10, v18;
	v25 =	vmax.f32 v10, v18  }
0x47: {  	v10 =	vmin.f32 v9, v15;
	v9 =	vmax.f32 v9, v15;
	v11 =	vmin.f32 v19, v11  }
0x48: {  	v15 =	vimm.f32 $-Inf;
	v18 =	vmin.f32 v13, v12;
	v24 =	vmax.f32 v13, v12  }
0x49: {  	v12 =	vmin.f32 v16, v14;
	v13 =	vmax.f32 v16, v14;
	v16 =	vimm.f32 $-Inf  }
0x4a: {  	v14 =	vmin.f32 v10, v12;
	v10 =	vmax.f32 v10, v12;
	v12 =	vmin.f32 v9, v13  }
0x4b: {  	v28 =	vmax.f32 v9, v13;
	v13 =	vimm.f32 $-Inf;
	v31 =	vmax.f32 v14, v11  }
0x4c: {  	v9 =	vmin.f32 v12, v10;
	v27 =	vmax.f32 v12, v10;
	v29 =	vmin.f32 v28, v25  }
0x4d: {  	v10 =	vmin.f32 v14, v11;
	v14 =	vimm.f32 $-Inf;
	v33 =	vmin.f32 v27, v24  }
0x4e: {  	v11 =	vmin.f32 v9, v18;
	v30 =	vmax.f32 v9, v18;
	v34 =	vmax.f32 v17, v10  }
0x4f: {  	v10 =	vimm.f32 $-Inf;
	v18 =	vimm.f32 $-Inf;
	v12 =	vmin.f32 v33, v31  }
0x50: {  	v9 =	vimm.f32 $-Inf;
	v19 =	vmax.f32 v17, v34;
	v32 =	vmin.f32 v11, v12  }
0x51: {  	s14 =	simm.s32 $0x8;
	v35 =	vmax.f32 v11, v12;
	v12 =	vimm.f32 $-Inf;
	v11 =	vimm.f32 $-Inf  }
.LBB2_3:
0x52: {  	p0 =	sne.s32 s14, $0x3F8;
	v31 =	vmax.f32 v33, v31;
	v17 =	vmax.f32 v17, v35;
	v33 =	vmin.f32 v23, v34;
	s15 =	smov.u32 s14;
	s14 =	sadd.s32 $0x8, s14  }
0x53: {  	v23 =	vor.u32 s15, v0;
	v34 =	vor.u32 s15, v3;
	v35 =	vor.u32 s15, v5  }
0x54: {  	v37 =	vmax.f32 v29, v30;
	v26 =	vmax.f32 v26, v32;
	v36 =	vor.u32 s15, v6  }
0x55: {  	v25 =	vmax.f32 v28, v25;
	v28 =	vmin.f32 v29, v30;
	v29 =	vmin.f32 v14, v26  }
0x56: {  	v24 =	vmax.f32 v27, v24;
	v30 =	vor.u32 s15, v7;
	v27 =	vmin.f32 v28, v31  }
0x57: {  	v32 =	vmin.f32 v37, v24;
	v24 =	vmax.f32 v37, v24;
	v37 =	vmax.f32 v10, v17  }
0x58: {  	v15 =	vmax.f32 v15, v25;
	v21 =	vmax.f32 v21, v32;
	v13 =	vmax.f32 v13, v24  }
0x59: {  	v14 =	vmax.f32 v14, v26;
	v24 =	vmax.f32 v28, v31;
	v25 =	vmax.f32 v18, v13  }
0x5a: {  	v16 =	vmax.f32 v16, v24;
	v24 =	vmin.f32 v20, v21;
	v26 =	vmax.f32 v37, v25  }
0x5b: {  	v17 =	vmin.f32 v10, v17;
	v22 =	vmax.f32 v22, v27;
	v10 =	vmax.f32 v20, v21  }
0x5c: {  	v20 =	vmin.f32 v12, v15;
	v21 =	vmax.f32 v14, v10;
	v25 =	vmin.f32 v37, v25  }
0x5d: {  	v18 =	vmin.f32 v18, v13;
	v12 =	vmax.f32 v12, v15;
	v27 =	vmin.f32 v11, v16  }
0x5e: {  	v11 =	vmax.f32 v11, v16;
	v15 =	vmin.f32 v17, v18;
	v13 =	vmin.f32 v33, v27  }
0x5f: {  	v28 =	vmax.f32 v9, v22;
	v31 =	vmin.f32 v14, v10;
	v10 =	vmin.f32 v13, v15  }
0x60: {  	v22 =	vmin.f32 v9, v22;
	v9 =	vmax.f32 v28, v12;
	v32 =	vmin.f32 v19, v11  }
0x61: {  	v14 =	vmin.f32 v29, v24;
	v16 =	vmin.f32 v22, v20;
	v11 =	vmax.f32 v19, v11  }
0x62: {  	v19 =	vmax.f32 v21, v9;
	v37 =	vmax.f32 v14, v16;
	v14 =	vmin.f32 v14, v16  }
0x63: {  	v9 =	vmin.f32 v21, v9;
	v21 =	vmax.f32 v13, v15;
	v13 =	vmax.f32 v10, v14  }
0x64: {  	v38 =	vor.u32 s15, v4;
	v16 =	vmax.f32 v11, v26;
	v15 =	vmin.f32 v10, v14  }
0x65: {  	v40 =	vor.u32 s15, v1;
	v41 =	vor.u32 s15, v2;
	v11 =	vmin.f32 v11, v26;
	v39 =	vld.idx.msk [tilespmem:v23+s3+$0x0], $0xffff  }
0x66: {  	v14 =	vmin.f32 v16, v19;
	v10 =	vmax.f32 v11, v9;
	v23 =	vmax.f32 v16, v19;
	v35 =	vld.idx.msk [tilespmem:v35+s3+$0x0], $0xffff  }
0x67: {  	v9 =	vmin.f32 v11, v9;
	v16 =	vmax.f32 v21, v37;
	v21 =	vmin.f32 v21, v37;
	v19 =	vld.idx.msk [tilespmem:v36+s3+$0x0], $0xffff  }
0x68: {  	v26 =	vmax.f32 v32, v25;
	v25 =	vmin.f32 v32, v25;
	v11 =	vmin.f32 v28, v12;
	v30 =	vld.idx.msk [tilespmem:v30+s3+$0x0], $0xffff  }
0x69: {  	v27 =	vmax.f32 v33, v27;
	v32 =	vmax.f32 v31, v11;
	v31 =	vmin.f32 v31, v11;
	v28 =	vld.idx.msk [tilespmem:v38+s3+$0x0], $0xffff  }
0x6a: {  	v22 =	vmax.f32 v22, v20;
	v11 =	vmax.f32 v26, v32;
	v12 =	vmin.f32 v25, v31;
	v33 =	vld.idx.msk [tilespmem:v34+s3+$0x0], $0xffff  }
0x6b: {  	v24 =	vmax.f32 v29, v24;
	v17 =	vmax.f32 v17, v18;
	v20 =	vmin.f32 v26, v32;
	v34 =	vld.idx.msk [tilespmem:v40+s3+$0x0], $0xffff  }
0x6c: {  	v26 =	vmax.f32 v27, v17;
	v27 =	vmin.f32 v27, v17;
	v17 =	vmax.f32 v24, v22;
	v29 =	vld.idx.msk [tilespmem:v41+s3+$0x0], $0xffff  }
0x6d: {  	v22 =	vmin.f32 v24, v22;
	v18 =	vmax.f32 v25, v31;
	v32 =	vmax.f32 v26, v17  }
0x6e: {  	v26 =	vmin.f32 v26, v17;
	v17 =	vmax.f32 v27, v22;
	v22 =	vmin.f32 v27, v22  }
0x6f: {  	v24 =	vmax.f32 v19, v30  }
0x70: {  	v19 =	vmin.f32 v19, v30;
	v27 =	vmin.f32 v28, v35;
	v25 =	vmax.f32 v28, v35  }
0x71: {  	v28 =	vmax.f32 v27, v19;
	v30 =	vmin.f32 v25, v24;
	v25 =	vmax.f32 v25, v24  }
0x72: {  	v31 =	vmin.f32 v39, v34;
	v35 =	vmin.f32 v30, v28;
	v24 =	vmax.f32 v30, v28  }
0x73: {  	v19 =	vmin.f32 v27, v19;
	v28 =	vmax.f32 v39, v34;
	v30 =	vmin.f32 v29, v33  }
0x74: {  	v27 =	vmax.f32 v29, v33;
	v33 =	vmin.f32 v31, v30;
	v29 =	vmax.f32 v31, v30  }
.Ltmp0:
0x75: {  	v30 =	vmin.f32 v28, v27;
	v28 =	vmax.f32 v28, v27;
	v31 =	vmax.f32 v33, v19;
	(pc) =	sbr.rel @p0 .LBB2_3-.Ltmp0, $4  }
0x76: {  	v34 =	vmin.f32 v30, v29;
	v27 =	vmax.f32 v30, v29;
	v29 =	vmin.f32 v28, v25  }
0x77: {  	v19 =	vmin.f32 v33, v19;
	v33 =	vmin.f32 v27, v24;
	v36 =	vmin.f32 v34, v35  }
0x78: {  	v30 =	vmax.f32 v34, v35;
	v34 =	vmax.f32 v32, v19;
	v37 =	vmin.f32 v33, v31  }
0x79: {  	v19 =	vmax.f32 v23, v34;
	v32 =	vmin.f32 v36, v37;
	v35 =	vmax.f32 v36, v37  }
0x7a: {  	v31 =	vmax.f32 v33, v31;
	v52 =	vmax.f32 v17, v35;
	v17 =	vor.u32 s13, v8  }
0x7b: {  	v23 =	vmin.f32 v23, v34;
	v53 =	vmax.f32 v29, v30;
	v54 =	vmulhi.u32 $0x2AAAAAAB, v17  }
0x7c: {  	v26 =	vmax.f32 v26, v32;
	v25 =	vmax.f32 v28, v25;
	v55 =	vmin.f32 v29, v30  }
0x7d: {  	v24 =	vmax.f32 v27, v24;
	v29 =	vmin.f32 v14, v26;
	v56 =	vshrl.u32 v54, $0x6  }
0x7e: {  	v30 =	vmin.f32 v55, v31;
	v57 =	vmin.f32 v53, v24;
	v27 =	vmul.u32 $0x180, v56  }
0x7f: {  	v24 =	vmax.f32 v53, v24;
	v58 =	vmax.f32 v10, v52;
	v15 =	vmax.f32 v15, v25  }
0x80: {  	v60 =	vmax.f32 v55, v31;
	v61 =	vmax.f32 v14, v26;
	v59 =	vsub.s32 v17, v27  }
0x81: {  	v10 =	vmin.f32 v10, v52;
	v13 =	vmax.f32 v13, v24;
	v24 =	vshll.u32 v59, $0x4  }
0x82: {  	v21 =	vmax.f32 v21, v57;
	v16 =	vmax.f32 v16, v60;
	v63 =	vor.u32 $0x1, v24  }
0x83: {  	v22 =	vmax.f32 v22, v30;
	v30 =	vmin.f32 v12, v15;
	v42 =	vmax.f32 v12, v15  }
0x84: {  	v62 =	vmax.f32 v18, v13;
	v37 =	vmax.f32 v20, v21;
	v38 =	vor.u32 $0x2, v24  }
0x85: {  	v32 =	vmin.f32 v11, v16;
	v13 =	vmin.f32 v18, v13;
	v11 =	vmax.f32 v11, v16  }
0x86: {  	v43 =	vmax.f32 v9, v22;
	v9 =	vmin.f32 v9, v22;
	v41 =	vor.u32 $0x3, v24;
	v40 =	vld.idx.msk [tilespmem:v24+s8+$0x0], $0xffff  }
0x87: {  	v36 =	vmax.f32 v58, v62;
	v39 =	vmax.f32 v61, v37;
	v26 =	vmin.f32 v58, v62;
	v44 =	vld.idx.msk [tilespmem:v63+s8+$0x0], $0xffff  }
0x88: {  	v14 =	vmin.f32 v61, v37;
	v45 =	vmax.f32 v43, v42;
	v46 =	vor.u32 $0x4, v24  }
0x89: {  	v47 =	vmax.f32 v19, v11;
	v48 =	vmax.f32 v39, v45;
	v27 =	vmin.f32 v20, v21;
	v21 =	vld.idx.msk [tilespmem:v38+s8+$0x0], $0xffff  }
0x8a: {  	v49 =	vmax.f32 v47, v36;
	v22 =	vmin.f32 v47, v36;
	v50 =	vor.u32 $0x5, v24  }
0x8b: {  	v20 =	vmin.f32 v39, v45;
	v51 =	vmax.f32 v49, v48;
	v31 =	vmin.f32 v49, v48;
	v33 =	vld.idx.msk [tilespmem:v41+s8+$0x0], $0xffff  }
0x8c: {  	v52 =	vor.u32 $0x6, v24;
	v18 =	vmul.f32 v40, v51;
	v16 =	vmul.f32 v44, v31  }
0x8d: {  	v11 =	vmin.f32 v19, v11;
	v12 =	vmin.f32 v43, v42;
	v53 =	vmax.f32 v22, v20;
	v54 =	vld.idx.msk [tilespmem:v46+s8+$0x0], $0xffff  }
0x8e: {  	v56 =	vor.u32 $0x7, v24;
	v55 =	vmul.f32 v21, v53;
	v16 =	vadd.f32 v16, v18  }
0x8f: {  	v57 =	vmax.f32 v11, v26;
	v58 =	vmax.f32 v14, v12;
	v20 =	vmin.f32 v22, v20;
	v59 =	vld.idx.msk [tilespmem:v50+s8+$0x0], $0xffff  }
0x90: {  	v61 =	vor.u32 $0x8, v24;
	v60 =	vmul.f32 v33, v20;
	v16 =	vadd.f32 v55, v16  }
0x91: {  	v62 =	vmax.f32 v23, v32;
	v34 =	vmax.f32 v9, v30;
	v63 =	vmax.f32 v57, v58;
	v28 =	vld.idx.msk [tilespmem:v52+s8+$0x0], $0xffff  }
0x92: {  	v15 =	vmul.f32 v54, v63;
	v33 =	vor.u32 $0x9, v24;
	v16 =	vadd.f32 v60, v16  }
0x93: {  	v11 =	vmin.f32 v11, v26;
	v12 =	vmin.f32 v14, v12;
	v19 =	vld.idx.msk [tilespmem:v56+s8+$0x0], $0xffff;
	v21 =	vmin.f32 v57, v58  }
0x94: {  	v36 =	vor.u32 $0xA, v24;
	v35 =	vmul.f32 v59, v21;
	v15 =	vadd.f32 v15, v16  }
0x95: {  	v39 =	vmax.f32 v11, v12;
	v37 =	vmax.f32 v29, v27;
	v38 =	vmax.f32 v10, v13;
	v20 =	vld.idx.msk [tilespmem:v61+s8+$0x0], $0xffff  }
0x96: {  	v41 =	vor.u32 $0xB, v24;
	v40 =	vmul.f32 v28, v39;
	v15 =	vadd.f32 v35, v15  }
0x97: {  	v11 =	vmin.f32 v11, v12;
	v43 =	vmax.f32 v37, v34;
	v42 =	vmax.f32 v62, v38;
	v18 =	vld.idx.msk [tilespmem:v33+s8+$0x0], $0xffff  }
0x98: {  	v11 =	vmul.f32 v19, v11;
	v44 =	vor.u32 $0xC, v24;
	v15 =	vadd.f32 v40, v15  }
0x99: {  	v9 =	vmin.f32 v9, v30;
	v46 =	vmax.f32 v42, v43;
	v21 =	vld.idx.msk [tilespmem:v36+s8+$0x0], $0xffff  }
0x9a: {  	v48 =	vor.u32 $0xD, v24;
	v47 =	vmul.f32 v20, v46;
	v11 =	vadd.f32 v11, v15  }
0x9b: {  	v14 =	vmin.f32 v37, v34;
	v49 =	vmin.f32 v62, v38;
	v12 =	vmin.f32 v42, v43;
	v50 =	vld.idx.msk [tilespmem:v41+s8+$0x0], $0xffff  }
0x9c: {  	v51 =	vor.u32 $0xE, v24;
	v12 =	vmul.f32 v18, v12;
	v11 =	vadd.f32 v47, v11  }
0x9d: {  	v45 =	vmin.f32 v23, v32;
	v10 =	vmin.f32 v10, v13;
	v25 =	vmax.f32 v49, v14;
	v16 =	vld.idx.msk [tilespmem:v44+s8+$0x0], $0xffff  }
0x9e: {  	v54 =	vor.u32 $0xF, v24;
	v53 =	vmul.f32 v21, v25;
	v11 =	vadd.f32 v12, v11  }
0x9f: {  	v52 =	vmin.f32 v29, v27;
	v56 =	vmax.f32 v45, v10;
	v14 =	vmin.f32 v49, v14;
	v20 =	vld.idx.msk [tilespmem:v48+s8+$0x0], $0xffff  }
0xa0: {  	v55 =	vmax.f32 v52, v9;
	v57 =	vmul.f32 v50, v14;
	v11 =	vadd.f32 v53, v11  }
0xa1: {  	v58 =	vmax.f32 v56, v55;
	v15 =	vld.idx.msk [tilespmem:v51+s8+$0x0], $0xffff  }
0xa2: {  	v59 =	vmul.f32 v16, v58;
	v11 =	vadd.f32 v57, v11  }
0xa3: {  	v10 =	vmin.f32 v45, v10;
	v13 =	vmin.f32 v56, v55;
	v60 =	vld.idx.msk [tilespmem:v54+s8+$0x0], $0xffff  }
0xa4: {  	v9 =	vmin.f32 v52, v9;
	v61 =	vmul.f32 v20, v13;
	v11 =	vadd.f32 v59, v11  }
0xa5: {  	v62 =	vmax.f32 v10, v9  }
0xa6: {  	s12 =	sadd.s32 $0x1, s12;
	v63 =	vmul.f32 v15, v62;
	v11 =	vadd.f32 v61, v11  }
0xa7: {  	p0 =	sne.s32 s12, $0x30;
	v9 =	vmin.f32 v10, v9  }
.Ltmp1:
0xa8: {  	v9 =	vmul.f32 v60, v9;
	v10 =	vadd.f32 v63, v11;
	(pc) =	sbr.rel @p0 .LBB2_2-.Ltmp1, $3  }
0xa9: {  	_ = 	snop  }
0xaa: {  	v9 =	vadd.f32 v9, v10;
	_ =	sdelay $0x1  }
0xab: {  	[tilespmem:v17+s10+$0x0] =	vst.idx.msk $0xffff, v9  }
0xac: {  	s11 =	sadd.s32 $0x1, s11  }
0xad: {  	p0 =	sne.s32 s11, s7  }
.Ltmp2:
0xae: {  	_ = 	snop;
	(pc) =	sbr.rel @p0 .LBB2_1-.Ltmp2, $4  }
0xaf: {  	[hbm4b:s6+s3] =	stream.linear.scatter [tilespmem:s10], [sflag:$0x1], $0x300, $0x38;
	[tilespmem:$0x5B00] =	vst v63  }
0xb0: {  	_ =	swait.ge [sflag:s9], $0x300  }
0xb1: {  	[sflag:s9] =	ssyncset.done $0x0  }
0xb2: {  	[sflag:s9] =	ssyncadd.s32 $0xFFFFFD00  }
0xb3: {  	_ =	sfence.sel $0x180000  }
0xb4: {  	[bflag:$0x0] =	sbarrier.arrive $0xFFFF  }
0xb5: {  	p0 =	sne.s32 s0, $0x0;
	_ =	strace $0x90000047  }
0xb6: {  	s0 =	sadd.s32 @!p0 $0x100000, s1;
	[bflag:$0x2] =	sbarrier.arrive $0xFFFF  }
0xb7: {  	[sflag:s0] =	ssyncadd.tile.s32 @!p0 $0x1;
	_ =	shalt  }
.Lfunc_end2:
_tile_overlayer_lowered:
.L_overlay_start_2:
0xb8: {  	(tag) =	ssettag $0x2  }
0xb9: {  	s0 =	rddreg [dreg:$0x0];
	s2 =	stileid.u32  }
0xba: {  	s1 =	rddreg [dreg:$0x1];
	p0 =	sne.s32 s2, $0x0  }
0xbb: {  	s3 =	rddreg [dreg:$0x2];
	[bflag:$0x3] =	sbarrier.arrive $0xFFFF;
	s2 =	simm.s32 @!p0 $0x1C01  }
0xbc: {  	[timem:s3], [sflag:s2] =	dma.local @!p0 [hbm:s0], s1  }
0xbd: {  	s0 =	simm.s32 @!p0 $0x1  }
0xbe: {  	_ =	swait.ge @!p0 [sflag:s0], s1  }
0xbf: {  	s1 =	ssub.s32 @!p0 $0x0, s1;
	[sflag:s0] =	ssyncset.done @!p0 $0x0  }
0xc0: {  	[sflag:s0] =	ssyncadd.s32 @!p0 s1  }
0xc1: {  	[bflag:$0x3] =	sbarrier.arrive $0xFFFF  }
0xc2: {  	_ =	shalt  }

</sc_bundles>
